<compile_context>
chip_gen: v7x
topology: tpu7x:2x2x1
jax: 0.10.2.dev20260603
libtpu: 0.0.44.dev20260713+nightly
codegen_flags: <defaults>
</compile_context>

<pallas_src>
import functools

import jax
import jax.numpy as jnp
import numpy as np
from jax import lax
from jax.experimental import pallas as pl
from jax.experimental.pallas import tpu as pltpu
from jax.experimental.pallas import tpu_sc as plsc

BATCH = 4
RADIUS = 240
ANGLE = 180
HEIGHT = 32
RADIUS_KEEP = 120
N_POINTS = 480000
CUT_NUM = 8

NC = 2
NS = 16
L = 16
NW = NC * NS

PTS_PER_W = N_POINTS // NW
NGRP = -(-PTS_PER_W // L)
PBUF = NGRP * L


def _build_constants():
    perms = np.array(
        [[1, 3, 0, 2], [2, 0, 3, 1], [0, 1, 2, 3], [3, 2, 0, 1],
         [1, 3, 2, 0], [3, 1, 2, 0], [1, 0, 3, 2], [0, 2, 1, 3]],
        dtype=np.int32,
    )
    inv = np.argsort(perms, axis=1)
    lut = np.ascontiguousarray(inv.reshape(-1).astype(np.int32))
    packed = 0
    for k, v in enumerate(perms.reshape(-1)):
        packed |= int(v) << (2 * k)
    lo = np.uint32(packed & 0xFFFFFFFF).astype(np.int32)
    hi = np.uint32((packed >> 32) & 0xFFFFFFFF).astype(np.int32)
    return lut, int(lo), int(hi)


_LUT_NP, _PERMS_LO, _PERMS_HI = _build_constants()


def _points_body(c0_hbm, c1_hbm, c2_hbm, lut_hbm, out_hbm,
                 b0, b1, b2, ob, lut_v, sem0, sem1, sem2):
    wid = lax.axis_index("s") * NC + lax.axis_index("c")
    base = wid * PTS_PER_W

    cp0 = pltpu.async_copy(c0_hbm.at[pl.ds(base, PTS_PER_W)],
                           b0.at[pl.ds(0, PTS_PER_W)], sem0)
    cp1 = pltpu.async_copy(c1_hbm.at[pl.ds(base, PTS_PER_W)],
                           b1.at[pl.ds(0, PTS_PER_W)], sem1)
    cp2 = pltpu.async_copy(c2_hbm.at[pl.ds(base, PTS_PER_W)],
                           b2.at[pl.ds(0, PTS_PER_W)], sem2)
    pltpu.sync_copy(lut_hbm, lut_v)
    cp0.wait()
    cp1.wait()
    cp2.wait()

    @pl.loop(0, NGRP)
    def _grp(g):
        off = pl.multiple_of(g * L, L)
        c0 = b0[pl.ds(off, L)]
        r = b1[pl.ds(off, L)]
        ang = b2[pl.ds(off, L)]
        sec = ((2 * ang + 1) * 1457) >> 16
        li = (sec * 4 + c0) & 31
        val = plsc.load_gather(lut_v, [li])
        ob[pl.ds(off, L)] = jnp.where(r >= RADIUS_KEEP, val, c0)

    pltpu.sync_copy(ob.at[pl.ds(0, PTS_PER_W)],
                    out_hbm.at[pl.ds(base, PTS_PER_W)])


_points_sc = functools.partial(
    pl.kernel,
    out_type=jax.ShapeDtypeStruct((N_POINTS,), jnp.int32),
    mesh=plsc.VectorSubcoreMesh(
        core_axis_name="c", subcore_axis_name="s",
        num_cores=NC, num_subcores=NS,
    ),
    compiler_params=pltpu.CompilerParams(needs_layout_passes=False),
    scratch_types=[
        pltpu.VMEM((PBUF,), jnp.int32),
        pltpu.VMEM((PBUF,), jnp.int32),
        pltpu.VMEM((PBUF,), jnp.int32),
        pltpu.VMEM((PBUF,), jnp.int32),
        pltpu.VMEM((32,), jnp.int32),
        pltpu.SemaphoreType.DMA,
        pltpu.SemaphoreType.DMA,
        pltpu.SemaphoreType.DMA,
    ],
)(_points_body)


def _vox_body(own_ref, perm_ref, out_ref):
    r_iota = lax.broadcasted_iota(jnp.int32, (1, 1, HEIGHT, RADIUS), 3)
    out_ref[...] = jnp.where(r_iota < RADIUS_KEEP, own_ref[...], perm_ref[...])


def _src_index_map(b, a):
    sec = ((2 * a + 1) * 1457) >> 16
    idx = sec * 4 + b
    word = jnp.where(idx < 16,
                     jnp.int32(_PERMS_LO) >> (2 * idx),
                     jnp.int32(_PERMS_HI) >> (2 * (idx - 16)))
    return word & 3, a, 0, 0


_vox_call = pl.pallas_call(
    _vox_body,
    grid=(BATCH, ANGLE),
    in_specs=[
        pl.BlockSpec((1, 1, HEIGHT, RADIUS), lambda b, a: (b, a, 0, 0)),
        pl.BlockSpec((1, 1, HEIGHT, RADIUS), _src_index_map),
    ],
    out_specs=pl.BlockSpec((1, 1, HEIGHT, RADIUS), lambda b, a: (b, a, 0, 0)),
    out_shape=jax.ShapeDtypeStruct((BATCH, ANGLE, HEIGHT, RADIUS), jnp.int32),
)


def kernel(point_feature_, point_coord_, voxel_label_):
    c0 = point_coord_[:, 0]
    c1 = point_coord_[:, 1]
    c2 = point_coord_[:, 2]
    newc0 = _points_sc(c0, c1, c2, jnp.asarray(_LUT_NP))
    pc_out = jnp.stack([newc0, c1, c2], axis=1)

    vt = jnp.transpose(voxel_label_, (0, 2, 3, 1))
    vo = _vox_call(vt, vt)
    vl_out = jnp.transpose(vo, (0, 3, 1, 2))

    return point_feature_, pc_out, vl_out

# --- scband reference (transcript-rebuilt; emitter-appended) ---
"""Pipeline reference for scband-voxel-mix-13486197310125 (READ-ONLY COPY).

The authoritative reference and input builder live on the scoring server;
editing this copy changes nothing except your own understanding.
"""

import jax, jax.numpy as jnp
import numpy as np

BATCH = 4
RADIUS = 240
ANGLE = 180
HEIGHT = 32
RADIUS_KEEP = 120
N_POINTS = 480000
FEAT = 9
CUT_NUM = 8


def setup_inputs(seed: int = 0) -> dict:
    key = jax.random.key(seed)
    k1, k2, k3, k4, k5 = jax.random.split(key, 5)
    point_feature_ = jax.random.normal(k1, (N_POINTS, FEAT), dtype=jnp.float32)
    # columns: [batch_idx, radius_bin, angle_bin] with per-column ranges
    c0 = jax.random.randint(k2, (N_POINTS,), 0, BATCH)
    c1 = jax.random.randint(k3, (N_POINTS,), 0, RADIUS)
    c2 = jax.random.randint(k4, (N_POINTS,), 0, ANGLE)
    point_coord_ = jnp.stack([c0, c1, c2], axis=1)
    voxel_label_ = jax.random.randint(k5, (BATCH, RADIUS, ANGLE, HEIGHT), 0, 20)
    return {"point_feature_": point_feature_, "point_coord_": point_coord_, "voxel_label_": voxel_label_}


def reference(point_feature_, point_coord_, voxel_label_):
    pc_lookup = point_coord_
    vl_lookup = voxel_label_
    cake_slice = 360 // CUT_NUM
    # torch.randperm per slice -> fixed-key jax permutations (internal randomness)
    pkey = jax.random.key(42)
    perms = jnp.stack([jax.random.permutation(jax.random.fold_in(pkey, i), BATCH) for i in range(CUT_NUM)])
    coord0 = point_coord_[:, 0]
    vl = voxel_label_
    for area_idx in range(CUT_NUM):
        st_degree = (area_idx * cake_slice) // 2
        ed_degree = (area_idx * cake_slice + cake_slice) // 2
        for batch_idx in range(BATCH):
            perm_idx = perms[area_idx, batch_idx]
            cond = (pc_lookup[:, 0] == perm_idx) \
                 & (pc_lookup[:, 2] >= st_degree) \
                 & (pc_lookup[:, 2] < ed_degree) \
                 & (pc_lookup[:, 1] >= RADIUS_KEEP)
            coord0 = jnp.where(cond, batch_idx, coord0)
            src = jnp.take(vl_lookup, perm_idx, axis=0)[RADIUS_KEEP:, st_degree:ed_degree, :]
            vl = vl.at[batch_idx, RADIUS_KEEP:, st_degree:ed_degree, :].set(src)
    point_coord_out = point_coord_.at[:, 0].set(coord0)
    return (point_feature_, point_coord_out, vl)

if __name__ == "__main__":
    import jax
    _d = setup_inputs()
    print(jax.jit(kernel)(*tuple(_d.values())))

</pallas_src>

<mosaic_0001>
#map = affine_map<(d0, d1) -> (0)>
module attributes {stable_mosaic.version = 14 : i64} {
  func.func @_points_body(%arg0: i32, %arg1: i32, %arg2: memref<480000xi32, #tpu.memory_space<hbm>>, %arg3: memref<480000xi32, #tpu.memory_space<hbm>>, %arg4: memref<480000xi32, #tpu.memory_space<hbm>>, %arg5: memref<32xi32, #tpu.memory_space<hbm>>, %arg6: memref<480000xi32, #tpu.memory_space<hbm>>, %arg7: memref<15008xi32, #tpu.memory_space<vmem>>, %arg8: memref<15008xi32, #tpu.memory_space<vmem>>, %arg9: memref<15008xi32, #tpu.memory_space<vmem>>, %arg10: memref<15008xi32, #tpu.memory_space<vmem>>, %arg11: memref<32xi32, #tpu.memory_space<vmem>>, %arg12: memref<!tpu.dma_semaphore, #tpu.memory_space<semaphore_mem>>, %arg13: memref<!tpu.dma_semaphore, #tpu.memory_space<semaphore_mem>>, %arg14: memref<!tpu.dma_semaphore, #tpu.memory_space<semaphore_mem>>) attributes {dimension_semantics = [#tpu.dimension_semantics<core_parallel>, #tpu.dimension_semantics<subcore_parallel>], iteration_bounds = array<i64: 2, 16>, scalar_prefetch = 0 : i64, scratch_operands = 8 : i64, tpu.core_type = #tpu.core_type<sc_vector_subcore>, window_params = [{transform_indices = #map}, {transform_indices = #map}, {transform_indices = #map}, {transform_indices = #map}, {transform_indices = #map}]} {
    %mul3A = arith.constant 2 : i32
    %mul3A_0 = arith.muli %arg1, %mul3A : i32
    %add3A = arith.addi %mul3A_0, %arg0 : i32
    %mul3A_1 = arith.constant 15000 : i32
    %mul3A_2 = arith.muli %add3A, %mul3A_1 : i32
    %dma_start3A = arith.constant 0 : i32
    %dma_start3A_3 = tpu.memref_slice %arg7[%dma_start3A] : memref<15008xi32, #tpu.memory_space<vmem>> -> memref<15000xi32, #tpu.memory_space<vmem>>
    %dma_start3A_4 = tpu.memref_slice %arg2[%mul3A_2] : memref<480000xi32, #tpu.memory_space<hbm>> -> memref<15000xi32, #tpu.memory_space<hbm>>
    %dma_start3A_5 = arith.constant 0 : i32
    %dma_start3A_6 = tpu.memref_slice %arg7[%dma_start3A_5] : memref<15008xi32, #tpu.memory_space<vmem>> -> memref<15000xi32, #tpu.memory_space<vmem>>
    %dma_start3A_7 = tpu.memref_slice %arg2[%mul3A_2] : memref<480000xi32, #tpu.memory_space<hbm>> -> memref<15000xi32, #tpu.memory_space<hbm>>
    tpu.enqueue_dma source(%dma_start3A_7 : memref<15000xi32, #tpu.memory_space<hbm>>) target(%dma_start3A_6 : memref<15000xi32, #tpu.memory_space<vmem>>) target_semaphore(%arg12 : memref<!tpu.dma_semaphore, #tpu.memory_space<semaphore_mem>>)
    %dma_start3A_8 = arith.constant 0 : i32
    %dma_start3A_9 = tpu.memref_slice %arg8[%dma_start3A_8] : memref<15008xi32, #tpu.memory_space<vmem>> -> memref<15000xi32, #tpu.memory_space<vmem>>
    %dma_start3A_10 = tpu.memref_slice %arg3[%mul3A_2] : memref<480000xi32, #tpu.memory_space<hbm>> -> memref<15000xi32, #tpu.memory_space<hbm>>
    %dma_start3A_11 = arith.constant 0 : i32
    %dma_start3A_12 = tpu.memref_slice %arg8[%dma_start3A_11] : memref<15008xi32, #tpu.memory_space<vmem>> -> memref<15000xi32, #tpu.memory_space<vmem>>
    %dma_start3A_13 = tpu.memref_slice %arg3[%mul3A_2] : memref<480000xi32, #tpu.memory_space<hbm>> -> memref<15000xi32, #tpu.memory_space<hbm>>
    tpu.enqueue_dma source(%dma_start3A_13 : memref<15000xi32, #tpu.memory_space<hbm>>) target(%dma_start3A_12 : memref<15000xi32, #tpu.memory_space<vmem>>) target_semaphore(%arg13 : memref<!tpu.dma_semaphore, #tpu.memory_space<semaphore_mem>>)
    %dma_start3A_14 = arith.constant 0 : i32
    %dma_start3A_15 = tpu.memref_slice %arg9[%dma_start3A_14] : memref<15008xi32, #tpu.memory_space<vmem>> -> memref<15000xi32, #tpu.memory_space<vmem>>
    %dma_start3A_16 = tpu.memref_slice %arg4[%mul3A_2] : memref<480000xi32, #tpu.memory_space<hbm>> -> memref<15000xi32, #tpu.memory_space<hbm>>
    %dma_start3A_17 = arith.constant 0 : i32
    %dma_start3A_18 = tpu.memref_slice %arg9[%dma_start3A_17] : memref<15008xi32, #tpu.memory_space<vmem>> -> memref<15000xi32, #tpu.memory_space<vmem>>
    %dma_start3A_19 = tpu.memref_slice %arg4[%mul3A_2] : memref<480000xi32, #tpu.memory_space<hbm>> -> memref<15000xi32, #tpu.memory_space<hbm>>
    tpu.enqueue_dma source(%dma_start3A_19 : memref<15000xi32, #tpu.memory_space<hbm>>) target(%dma_start3A_18 : memref<15000xi32, #tpu.memory_space<vmem>>) target_semaphore(%arg14 : memref<!tpu.dma_semaphore, #tpu.memory_space<semaphore_mem>>)
    "tpu.region"() ({
      %run_scoped3A = tpu.sem_alloc : memref<!tpu.dma_semaphore, #tpu.memory_space<semaphore_mem>>
      tpu.enqueue_dma source(%arg5 : memref<32xi32, #tpu.memory_space<hbm>>) target(%arg11 : memref<32xi32, #tpu.memory_space<vmem>>) target_semaphore(%run_scoped3A : memref<!tpu.dma_semaphore, #tpu.memory_space<semaphore_mem>>)
      tpu.wait_dma2 semaphore(%run_scoped3A : memref<!tpu.dma_semaphore, #tpu.memory_space<semaphore_mem>>) src(%arg5 : memref<32xi32, #tpu.memory_space<hbm>>) dst(%arg11 : memref<32xi32, #tpu.memory_space<vmem>>)
      tpu.yield
    }) : () -> ()
    %dma_wait3A = arith.constant 0 : i32
    %dma_wait3A_20 = tpu.memref_slice %arg7[%dma_wait3A] : memref<15008xi32, #tpu.memory_space<vmem>> -> memref<15000xi32, #tpu.memory_space<vmem>>
    %dma_wait3A_21 = tpu.memref_slice %arg2[%mul3A_2] : memref<480000xi32, #tpu.memory_space<hbm>> -> memref<15000xi32, #tpu.memory_space<hbm>>
    %dma_wait3A_22 = arith.constant 0 : i32
    %dma_wait3A_23 = tpu.memref_slice %arg7[%dma_wait3A_22] : memref<15008xi32, #tpu.memory_space<vmem>> -> memref<15000xi32, #tpu.memory_space<vmem>>
    %dma_wait3A_24 = tpu.memref_slice %arg2[%mul3A_2] : memref<480000xi32, #tpu.memory_space<hbm>> -> memref<15000xi32, #tpu.memory_space<hbm>>
    tpu.wait_dma2 semaphore(%arg12 : memref<!tpu.dma_semaphore, #tpu.memory_space<semaphore_mem>>) src(%dma_wait3A_24 : memref<15000xi32, #tpu.memory_space<hbm>>) dst(%dma_wait3A_23 : memref<15000xi32, #tpu.memory_space<vmem>>)
    %dma_wait3A_25 = arith.constant 0 : i32
    %dma_wait3A_26 = tpu.memref_slice %arg8[%dma_wait3A_25] : memref<15008xi32, #tpu.memory_space<vmem>> -> memref<15000xi32, #tpu.memory_space<vmem>>
    %dma_wait3A_27 = tpu.memref_slice %arg3[%mul3A_2] : memref<480000xi32, #tpu.memory_space<hbm>> -> memref<15000xi32, #tpu.memory_space<hbm>>
    %dma_wait3A_28 = arith.constant 0 : i32
    %dma_wait3A_29 = tpu.memref_slice %arg8[%dma_wait3A_28] : memref<15008xi32, #tpu.memory_space<vmem>> -> memref<15000xi32, #tpu.memory_space<vmem>>
    %dma_wait3A_30 = tpu.memref_slice %arg3[%mul3A_2] : memref<480000xi32, #tpu.memory_space<hbm>> -> memref<15000xi32, #tpu.memory_space<hbm>>
    tpu.wait_dma2 semaphore(%arg13 : memref<!tpu.dma_semaphore, #tpu.memory_space<semaphore_mem>>) src(%dma_wait3A_30 : memref<15000xi32, #tpu.memory_space<hbm>>) dst(%dma_wait3A_29 : memref<15000xi32, #tpu.memory_space<vmem>>)
    %dma_wait3A_31 = arith.constant 0 : i32
    %dma_wait3A_32 = tpu.memref_slice %arg9[%dma_wait3A_31] : memref<15008xi32, #tpu.memory_space<vmem>> -> memref<15000xi32, #tpu.memory_space<vmem>>
    %dma_wait3A_33 = tpu.memref_slice %arg4[%mul3A_2] : memref<480000xi32, #tpu.memory_space<hbm>> -> memref<15000xi32, #tpu.memory_space<hbm>>
    %dma_wait3A_34 = arith.constant 0 : i32
    %dma_wait3A_35 = tpu.memref_slice %arg9[%dma_wait3A_34] : memref<15008xi32, #tpu.memory_space<vmem>> -> memref<15000xi32, #tpu.memory_space<vmem>>
    %dma_wait3A_36 = tpu.memref_slice %arg4[%mul3A_2] : memref<480000xi32, #tpu.memory_space<hbm>> -> memref<15000xi32, #tpu.memory_space<hbm>>
    tpu.wait_dma2 semaphore(%arg14 : memref<!tpu.dma_semaphore, #tpu.memory_space<semaphore_mem>>) src(%dma_wait3A_36 : memref<15000xi32, #tpu.memory_space<hbm>>) dst(%dma_wait3A_35 : memref<15000xi32, #tpu.memory_space<vmem>>)
    %scan3A = arith.constant 0 : i32
    %scan3A_37 = arith.constant 938 : i32
    %scan3A_38 = arith.addi %scan3A, %scan3A_37 : i32
    %scan3A_39 = arith.constant 1 : i32
    scf.for %scan3A_41 = %scan3A to %scan3A_38 step %scan3A_39  : i32 {
      %mul3A_42 = arith.constant 1 : i32
      %mul3A_43 = arith.muli %scan3A_41, %mul3A_42 : i32
      %add3A_44 = arith.constant 0 : i32
      %add3A_45 = arith.addi %add3A_44, %mul3A_43 : i32
      %mul3A_46 = arith.constant 16 : i32
      %mul3A_47 = arith.muli %add3A_45, %mul3A_46 : i32
      %multiple_of3A = tpu.assume_multiple %mul3A_47, 16 : i32
      %get3A = arith.index_cast %multiple_of3A : i32 to index
      %get3A_48 = tpu.vector_load %arg7[%get3A] {strides = array<i32>} : memref<15008xi32, #tpu.memory_space<vmem>>, vector<16xi32>,
      %get3A_49 = arith.index_cast %multiple_of3A : i32 to index
      %get3A_50 = tpu.vector_load %arg8[%get3A_49] {strides = array<i32>} : memref<15008xi32, #tpu.memory_space<vmem>>, vector<16xi32>,
      %get3A_51 = arith.index_cast %multiple_of3A : i32 to index
      %get3A_52 = tpu.vector_load %arg9[%get3A_51] {strides = array<i32>} : memref<15008xi32, #tpu.memory_space<vmem>>, vector<16xi32>,
      %mul3A_53 = arith.constant 2 : i32
      %mul3A_54 = vector.broadcast %mul3A_53 : i32 to vector<16xi32>
      %mul3A_55 = arith.muli %mul3A_54, %get3A_52 : vector<16xi32>
      %add3A_56 = arith.constant 1 : i32
      %add3A_57 = vector.broadcast %add3A_56 : i32 to vector<16xi32>
      %add3A_58 = arith.addi %mul3A_55, %add3A_57 : vector<16xi32>
      %mul3A_59 = arith.constant 1457 : i32
      %mul3A_60 = vector.broadcast %mul3A_59 : i32 to vector<16xi32>
      %mul3A_61 = arith.muli %add3A_58, %mul3A_60 : vector<16xi32>
      %shift_right_arithmetic3A = arith.constant 16 : i32
      %shift_right_arithmetic3A_62 = vector.broadcast %shift_right_arithmetic3A : i32 to vector<16xi32>
      %shift_right_arithmetic3A_63 = arith.shrsi %mul3A_61, %shift_right_arithmetic3A_62 : vector<16xi32>
      %mul3A_64 = arith.constant 4 : i32
      %mul3A_65 = vector.broadcast %mul3A_64 : i32 to vector<16xi32>
      %mul3A_66 = arith.muli %shift_right_arithmetic3A_63, %mul3A_65 : vector<16xi32>
      %add3A_67 = arith.addi %mul3A_66, %get3A_48 : vector<16xi32>
      %and3A = arith.constant 31 : i32
      %and3A_68 = vector.broadcast %and3A : i32 to vector<16xi32>
      %and3A_69 = arith.andi %add3A_67, %and3A_68 : vector<16xi32>
      %gather3A = tpu.vector_load_idx %arg11[%and3A_69] : memref<32xi32, #tpu.memory_space<vmem>>[vector<16xi32>], vector<16xi32>,
      %ge3A = arith.constant 120 : i32
      %ge3A_70 = vector.broadcast %ge3A : i32 to vector<16xi32>
      %ge3A_71 = arith.cmpi sge, %get3A_50, %ge3A_70 : vector<16xi32>
      %select_n3A = arith.select %ge3A_71, %gather3A, %get3A_48 : vector<16xi1>, vector<16xi32>
      %swap3A = arith.index_cast %multiple_of3A : i32 to index
      %swap3A_72 = tpu.vector_load %arg10[%swap3A] {strides = array<i32>} : memref<15008xi32, #tpu.memory_space<vmem>>, vector<16xi32>,
      tpu.vector_store %arg10[%swap3A], %select_n3A {strides = array<i32>} : memref<15008xi32, #tpu.memory_space<vmem>>, vector<16xi32>,
    }
    %scan3A_40 = arith.constant 938 : i32
    "tpu.region"() ({
      %run_scoped3A = tpu.sem_alloc : memref<!tpu.dma_semaphore, #tpu.memory_space<semaphore_mem>>
      %dma_start3A_41 = arith.constant 0 : i32
      %dma_start3A_42 = tpu.memref_slice %arg10[%dma_start3A_41] : memref<15008xi32, #tpu.memory_space<vmem>> -> memref<15000xi32, #tpu.memory_space<vmem>>
      %dma_start3A_43 = tpu.memref_slice %arg6[%mul3A_2] : memref<480000xi32, #tpu.memory_space<hbm>> -> memref<15000xi32, #tpu.memory_space<hbm>>
      %dma_start3A_44 = tpu.memref_slice %arg6[%mul3A_2] : memref<480000xi32, #tpu.memory_space<hbm>> -> memref<15000xi32, #tpu.memory_space<hbm>>
      %dma_start3A_45 = arith.constant 0 : i32
      %dma_start3A_46 = tpu.memref_slice %arg10[%dma_start3A_45] : memref<15008xi32, #tpu.memory_space<vmem>> -> memref<15000xi32, #tpu.memory_space<vmem>>
      tpu.enqueue_dma source(%dma_start3A_46 : memref<15000xi32, #tpu.memory_space<vmem>>) target(%dma_start3A_44 : memref<15000xi32, #tpu.memory_space<hbm>>) target_semaphore(%run_scoped3A : memref<!tpu.dma_semaphore, #tpu.memory_space<semaphore_mem>>)
      %dma_wait3A_47 = arith.constant 0 : i32
      %dma_wait3A_48 = tpu.memref_slice %arg10[%dma_wait3A_47] : memref<15008xi32, #tpu.memory_space<vmem>> -> memref<15000xi32, #tpu.memory_space<vmem>>
      %dma_wait3A_49 = tpu.memref_slice %arg6[%mul3A_2] : memref<480000xi32, #tpu.memory_space<hbm>> -> memref<15000xi32, #tpu.memory_space<hbm>>
      %dma_wait3A_50 = tpu.memref_slice %arg6[%mul3A_2] : memref<480000xi32, #tpu.memory_space<hbm>> -> memref<15000xi32, #tpu.memory_space<hbm>>
      %dma_wait3A_51 = arith.constant 0 : i32
      %dma_wait3A_52 = tpu.memref_slice %arg10[%dma_wait3A_51] : memref<15008xi32, #tpu.memory_space<vmem>> -> memref<15000xi32, #tpu.memory_space<vmem>>
      tpu.wait_dma2 semaphore(%run_scoped3A : memref<!tpu.dma_semaphore, #tpu.memory_space<semaphore_mem>>) src(%dma_wait3A_52 : memref<15000xi32, #tpu.memory_space<vmem>>) dst(%dma_wait3A_50 : memref<15000xi32, #tpu.memory_space<hbm>>)
      tpu.yield
    }) : () -> ()
    return
  }
}

module attributes {stable_mosaic.version = 14 : i64} {
  func.func @_vox_body(%arg0: i32, %arg1: i32, %arg2: memref<1x1x32x240xi32, #tpu.memory_space<vmem>>, %arg3: memref<1x1x32x240xi32, #tpu.memory_space<vmem>>, %arg4: memref<1x1x32x240xi32, #tpu.memory_space<vmem>>) attributes {dimension_semantics = [#tpu.dimension_semantics<arbitrary>, #tpu.dimension_semantics<arbitrary>], iteration_bounds = array<i64: 4, 180>, scalar_prefetch = 0 : i64, scratch_operands = 0 : i64, tpu.core_type = #tpu.core_type<tc>, window_params = [{transform_indices = @transform_0, window_bounds = array<i64: 1, 1, 32, 240>}, {transform_indices = @transform_1, window_bounds = array<i64: 1, 1, 32, 240>}, {transform_indices = @transform_2, window_bounds = array<i64: 1, 1, 32, 240>}]} {
    %iota3A = tpu.iota {dimensions = array<i32: 3>} : vector<1x1x32x240xi32>
    %lt3A = arith.constant 120 : i32
    %lt3A_0 = vector.broadcast %lt3A : i32 to vector<1x1x32x240xi32>
    %lt3A_1 = arith.cmpi slt, %iota3A, %lt3A_0 : vector<1x1x32x240xi32>
    %get3A = arith.constant 0 : index
    %get3A_2 = arith.constant 0 : index
    %get3A_3 = arith.constant 0 : index
    %get3A_4 = arith.constant 0 : index
    %get3A_5 = vector.load %arg2[%get3A, %get3A_2, %get3A_3, %get3A_4] : memref<1x1x32x240xi32, #tpu.memory_space<vmem>>, vector<1x1x32x240xi32>
    %get3A_6 = arith.constant 0 : index
    %get3A_7 = arith.constant 0 : index
    %get3A_8 = arith.constant 0 : index
    %get3A_9 = arith.constant 0 : index
    %get3A_10 = vector.load %arg3[%get3A_6, %get3A_7, %get3A_8, %get3A_9] : memref<1x1x32x240xi32, #tpu.memory_space<vmem>>, vector<1x1x32x240xi32>
    %select_n3A = arith.select %lt3A_1, %get3A_5, %get3A_10 : vector<1x1x32x240xi1>, vector<1x1x32x240xi32>
    %swap3A = arith.constant 0 : index
    %swap3A_11 = arith.constant 0 : index
    %swap3A_12 = arith.constant 0 : index
    %swap3A_13 = arith.constant 0 : index
    %swap3A_14 = vector.load %arg4[%swap3A, %swap3A_11, %swap3A_12, %swap3A_13] : memref<1x1x32x240xi32, #tpu.memory_space<vmem>>, vector<1x1x32x240xi32>
    tpu.vector_store %arg4[%swap3A, %swap3A_11, %swap3A_12, %swap3A_13], %select_n3A {strides = array<i32>} : memref<1x1x32x240xi32, #tpu.memory_space<vmem>>, vector<1x1x32x240xi32>,
    return
  }
  func.func @transform_0(%arg0: i32, %arg1: i32) -> (i32, i32, i32, i32) {
    %c0_i32 = arith.constant 0 : i32
    %c0_i32_0 = arith.constant 0 : i32
    %c0_i32_1 = arith.constant 0 : i32
    return %arg0, %arg1, %c0_i32, %c0_i32_0 : i32, i32, i32, i32
  }
  func.func @transform_1(%arg0: i32, %arg1: i32) -> (i32, i32, i32, i32) {
    %mul3A = arith.constant 2 : i32
    %mul3A_0 = arith.muli %mul3A, %arg1 : i32
    %add3A = arith.constant 1 : i32
    %add3A_1 = arith.addi %mul3A_0, %add3A : i32
    %mul3A_2 = arith.constant 1457 : i32
    %mul3A_3 = arith.muli %add3A_1, %mul3A_2 : i32
    %shift_right_arithmetic3A = arith.constant 16 : i32
    %shift_right_arithmetic3A_4 = arith.shrsi %mul3A_3, %shift_right_arithmetic3A : i32
    %mul3A_5 = arith.constant 4 : i32
    %mul3A_6 = arith.muli %shift_right_arithmetic3A_4, %mul3A_5 : i32
    %add3A_7 = arith.addi %mul3A_6, %arg0 : i32
    %lt3A = arith.constant 16 : i32
    %lt3A_8 = arith.cmpi slt, %add3A_7, %lt3A : i32
    %mul3A_9 = arith.constant 2 : i32
    %mul3A_10 = arith.muli %mul3A_9, %add3A_7 : i32
    %shift_right_arithmetic3A_11 = arith.constant 1273262733 : i32
    %shift_right_arithmetic3A_12 = arith.shrsi %shift_right_arithmetic3A_11, %mul3A_10 : i32
    %sub3A = arith.constant 16 : i32
    %sub3A_13 = arith.subi %add3A_7, %sub3A : i32
    %mul3A_14 = arith.constant 2 : i32
    %mul3A_15 = arith.muli %mul3A_14, %sub3A_13 : i32
    %shift_right_arithmetic3A_16 = arith.constant -659478739 : i32
    %shift_right_arithmetic3A_17 = arith.shrsi %shift_right_arithmetic3A_16, %mul3A_15 : i32
    %select_n3A = arith.select %lt3A_8, %shift_right_arithmetic3A_12, %shift_right_arithmetic3A_17 : i32
    %and3A = arith.constant 3 : i32
    %and3A_18 = arith.andi %select_n3A, %and3A : i32
    %c0_i32 = arith.constant 0 : i32
    %c0_i32_19 = arith.constant 0 : i32
    %c0_i32_20 = arith.constant 0 : i32
    return %and3A_18, %arg1, %c0_i32, %c0_i32_19 : i32, i32, i32, i32
  }
  func.func @transform_2(%arg0: i32, %arg1: i32) -> (i32, i32, i32, i32) {
    %c0_i32 = arith.constant 0 : i32
    %c0_i32_0 = arith.constant 0 : i32
    %c0_i32_1 = arith.constant 0 : i32
    return %arg0, %arg1, %c0_i32, %c0_i32_0 : i32, i32, i32, i32
  }
}

</mosaic_0001>

<sc_bundles>
// kernel: kernel.4.cloned.1.call-start
scs
__scs_entry_jumppad:
0x0: {  	(pc) =	sbr.rel $0x88, $3  }
0x1: {  	(tag) =	ssettag $0x0;
	lr =	simm.s32 $0x1  }
0x2: {  	[smem:$0x3F9E] =	sst lr;
	_ =	strace $0xD0000000  }
0x3: {  	_ = 	snop  }
0x4: {  	_ = 	snop  }
0x5: {  	_ = 	snop  }
0x6: {  	_ = 	snop  }
0x7: {  	_ = 	snop  }
__scs_overlays_trampoline_lowered:
0x8: {  	[smem:$0x3FAD] =	sst s0  }
0x9: {  	[smem:$0x3FAE] =	sst s1  }
0xa: {  	[smem:$0x3FAF] =	sst s2  }
0xb: {  	[smem:$0x3FB0] =	sst s3  }
0xc: {  	[smem:$0x3FB1] =	sst s4  }
0xd: {  	[smem:$0x3FB2] =	sst s5  }
0xe: {  	[smem:$0x3FB3] =	sst s6  }
0xf: {  	[smem:$0x3FB4] =	sst s7  }
0x10: {  	[smem:$0x3FB5] =	sst s8  }
0x11: {  	[smem:$0x3FB6] =	sst s9;
	s0 =	simm.s32 @!p0 $0x0  }
0x12: {  	s1 =	sld [smem:$0x3F9C];
	s0 =	simm.s32 @p0 $0x1  }
0x13: {  	[smem:$0x3FB7] =	sst s0;
	s0 =	simm.s32 @!p1 $0x0  }
0x14: {  	s2 =	sld [smem:$0x3F9B];
	s0 =	simm.s32 @p1 $0x1  }
0x15: {  	[smem:$0x3FB8] =	sst s0;
	s0 =	simm.s32 @!p2 $0x0  }
0x16: {  	s3 =	sld [smem:$0x3FDB];
	s0 =	simm.s32 @p2 $0x1  }
0x17: {  	s4 =	simm.s32 $0x1BF5;
	[smem:$0x3FBA] =	sst s0  }
0x18: {  	s0 =	sld [smem:$0x3F9D];
	_ =	swait.ge [sflag:s4], $0x0  }
0x19: {  	s7 =	sld [smem:$0x3F9E]  }
0x1a: {  	s8 =	sadd.s32 $0xFFFFE003, lr  }
0x1b: {  	s9 =	sadd.s32 $0xFFFFFEF7, lr;
	s5 =	simm.s32 $0xFFFFFFFF;
	p2 =	slt.u32 s8, $0xFFFFF086  }
0x1c: {  	p1 =	slt.u32 s9, $0xF7A;
	s5 =	simm.s32 @!p2 $0x0  }
0x1d: {  	s5 =	simm.s32 @p1 $0x1;
	p0 =	seq.s32 s7, s2  }
0x1e: {  	s7 =	smul.u32 @!p0 $0xF7A, s2;
	p2 =	seq.s32 @!p0 s5, $0x0  }
0x1f: {  	s9 =	smul.u32 $0xF7A, s1;
	s8 =	simm.s32 @!p0 $0x1BF5;
	p2 =	por !p2, p0  }
0x20: {  	[sflag:s8] =	ssyncset.s32 @!p0 $0xFFFFF086;
	s6 =	sadd.s32 @!p0 s3, s7;
	s7 =	simm.s32 @!p0 $0x108  }
0x21: {  	s3 =	sadd.s32 s3, s9;
	s6 =	sadd.s32 @!p0 $0x88, s6;
	s7 =	simm.s32 @p2 $0x1082  }
0x22: {  	[simem:s7], [sflag:s8] =	dma.local @!p0 [hbm:s6], $0xF7A  }
0x23: {  	s9 =	sor.u32 $0xD0000000, s2;
	s6 =	simm.s32 $0x108;
	_ =	swait.ge @!p0 [sflag:s8], $0x0  }
0x24: {  	s3 =	sadd.s32 $0x88, s3;
	s6 =	simm.s32 @!p1 $0x1082;
	[sflag:s4] =	ssyncset.s32 $0xFFFFF086  }
0x25: {  	[simem:s6], [sflag:s4] =	dma.local [hbm:s3], $0xF7A  }
0x26: {  	[smem:$0x3F9E] =	sst s1;
	(tag) =	ssettag s2;
	_ =	strace s9  }
0x27: {  	s1 =	sld [smem:$0x3FAE]  }
0x28: {  	s2 =	sld [smem:$0x3FAF]  }
0x29: {  	s4 =	sld [smem:$0x3FB1]  }
0x2a: {  	p0 =	seq.s32 s5, $0x0;
	s5 =	sld [smem:$0x3FB2]  }
0x2b: {  	s6 =	sld [smem:$0x3FB3]  }
0x2c: {  	s7 =	sld [smem:$0x3FB4]  }
0x2d: {  	s3 =	simm.s32 $0x108;
	s8 =	sld [smem:$0x3FB5]  }
0x2e: {  	s3 =	simm.s32 @!p0 $0x1082;
	s9 =	sld [smem:$0x3FB6]  }
0x2f: {  	lr =	sadd.s32 s0, s3;
	s0 =	sld [smem:$0x3FAD]  }
0x30: {  	s3 =	sld [smem:$0x3FB0]  }
0x31: {  	[smem:$0x3FB9] =	sst s10  }
0x32: {  	s10 =	sld [smem:$0x3FB7];
	_ =	sdelay $0x3  }
0x33: {  	p0 =	seq.s32 s10, $0x1;
	s10 =	sld [smem:$0x3FB9];
	_ =	sdelay $0x3  }
0x34: {  	[smem:$0x3FB9] =	sst s10  }
0x35: {  	s10 =	sld [smem:$0x3FB8];
	_ =	sdelay $0x3  }
0x36: {  	p1 =	seq.s32 s10, $0x1;
	s10 =	sld [smem:$0x3FB9];
	_ =	sdelay $0x3  }
0x37: {  	[smem:$0x3FB9] =	sst s10  }
0x38: {  	s10 =	sld [smem:$0x3FBA]  }
0x39: {  	_ = 	snop;
	(pc) =	sbr.ind lr, $3  }
0x3a: {  	_ = 	snop  }
0x3b: {  	_ = 	snop  }
0x3c: {  	p2 =	seq.s32 s10, $0x1;
	s10 =	sld [smem:$0x3FB9]  }
0x3d: {  	_ =	shalt  }
0x3e: {  	_ =	shalt  }
0x3f: {  	_ =	shalt  }
0x40: {  	_ =	shalt  }
0x41: {  	_ =	shalt  }
0x42: {  	_ =	shalt  }
0x43: {  	_ =	shalt  }
0x44: {  	_ =	shalt  }
0x45: {  	_ =	shalt  }
0x46: {  	_ =	shalt  }
0x47: {  	_ =	shalt  }
0x48: {  	_ =	shalt  }
0x49: {  	_ =	shalt  }
0x4a: {  	_ =	shalt  }
0x4b: {  	_ =	shalt  }
0x4c: {  	_ =	shalt  }
0x4d: {  	_ =	shalt  }
0x4e: {  	_ =	shalt  }
0x4f: {  	_ =	shalt  }
0x50: {  	_ =	shalt  }
0x51: {  	_ =	shalt  }
0x52: {  	_ =	shalt  }
0x53: {  	_ =	shalt  }
0x54: {  	_ =	shalt  }
0x55: {  	_ =	shalt  }
0x56: {  	_ =	shalt  }
0x57: {  	_ =	shalt  }
0x58: {  	_ =	shalt  }
0x59: {  	_ =	shalt  }
0x5a: {  	_ =	shalt  }
0x5b: {  	_ =	shalt  }
0x5c: {  	_ =	shalt  }
0x5d: {  	_ =	shalt  }
0x5e: {  	_ =	shalt  }
0x5f: {  	_ =	shalt  }
0x60: {  	_ =	shalt  }
0x61: {  	_ =	shalt  }
0x62: {  	_ =	shalt  }
0x63: {  	_ =	shalt  }
0x64: {  	_ =	shalt  }
0x65: {  	_ =	shalt  }
0x66: {  	_ =	shalt  }
0x67: {  	_ =	shalt  }
0x68: {  	_ =	shalt  }
0x69: {  	_ =	shalt  }
0x6a: {  	_ =	shalt  }
0x6b: {  	_ =	shalt  }
0x6c: {  	_ =	shalt  }
0x6d: {  	_ =	shalt  }
0x6e: {  	_ =	shalt  }
0x6f: {  	_ =	shalt  }
0x70: {  	_ =	shalt  }
0x71: {  	_ =	shalt  }
0x72: {  	_ =	shalt  }
0x73: {  	_ =	shalt  }
0x74: {  	_ =	shalt  }
0x75: {  	_ =	shalt  }
0x76: {  	_ =	shalt  }
0x77: {  	_ =	shalt  }
0x78: {  	_ =	shalt  }
0x79: {  	_ =	shalt  }
0x7a: {  	_ =	shalt  }
0x7b: {  	_ =	shalt  }
0x7c: {  	_ =	shalt  }
0x7d: {  	_ =	shalt  }
0x7e: {  	_ =	shalt  }
0x7f: {  	_ =	shalt  }
0x80: {  	_ =	shalt  }
0x81: {  	_ =	shalt  }
0x82: {  	_ =	shalt  }
0x83: {  	_ =	shalt  }
0x84: {  	_ =	shalt  }
0x85: {  	_ =	shalt  }
0x86: {  	_ =	shalt  }
0x87: {  	_ =	shalt  }
.Lfunc_end0:
.L_simem_size_0:
called_computation_lowered:
.L_overlay_start_0:
0x88: {  	s2 =	sld [smem:$0x3FD9]  }
0x89: {  	s3 =	sld [smem:$0x3FFE];
	_ =	sdelay $0x1  }
0x8a: {  	s1 =	srdreg.scid  }
0x8b: {  	s0 =	sand.u32 $0x1, s1  }
0x8c: {  	s14 =	sshll.u32 s0, $0xA;
	s2 =	sadd.s32 s3, s2  }
0x8d: {  	s2 =	sadd.s32 s2, s14  }
0x8e: {  	[smem:$0x3FC5] =	sst s2  }
0x8f: {  	_ = 	snop  }
0x90: {  	s2 =	sld [smem:$0x3FD0];
	_ =	sdelay $0x2  }
0x91: {  	s15 =	simm.s32 $0xA;
	s4 =	simm.s32 $0x10  }
0x92: {  	[smem:s4], [sflag:s15] =	dma.local [hbm:s2], $0x1  }
0x93: {  	_ =	swait.eq [sflag:s15], $0x1  }
0x94: {  	[sflag:s15] =	ssyncset.done $0x0  }
0x95: {  	s16 =	sld [smem:$0x10];
	[sflag:s15] =	ssyncadd.s32 $0xFFFFFFFF  }
0x96: {  	s17 =	sld [smem:$0x11];
	(tm) =	ssettm $0x1  }
0x97: {  	s18 =	sld [smem:$0x3FFB];
	_ =	sdelay $0x3  }
0x98: {  	_ =	strace s18  }
0x99: {  	s4 =	sld [smem:$0x3FFC];
	_ =	sdelay $0x3  }
0x9a: {  	_ =	strace s4  }
0x9b: {  	s4 =	sld [smem:$0x3FFD];
	_ =	sdelay $0x3  }
0x9c: {  	_ =	strace s4  }
0x9d: {  	_ =	strace $0x8FFFFFFF  }
0x9e: {  	s19 =	sld [smem:$0x3FDB];
	_ =	sdelay $0x1  }
0x9f: {  	s5 =	simm.s32 $_scs_section_size  }
0xa0: {  	s6 =	simm.s32 $_size__tile_overlayer_lowered;
	s7 =	simm.s32 $_tile_overlayer_lowered  }
0xa1: {  	s22 =	simm.s32 $0x1BFF;
	s21 =	sshll.u32 s7, $0x1;
	s4 =	sadd.s32 s5, s19  }
0xa2: {  	s8 =	simm.s32 $0x0;
	s20 =	sshll.u32 s6, $0x1;
	s6 =	sadd.s32 s21, s4  }
0xa3: {  	[timem:s8], [sflag:s22] =	dma.local [hbm:s6], s20  }
0xa4: {  	_ =	swait.ge [sflag:s22], s20  }
0xa5: {  	s5 =	ssub.s32 $0x0, s20;
	[sflag:s22] =	ssyncset.done $0x0  }
0xa6: {  	[sflag:s22] =	ssyncadd.s32 s5;
	_ =	sdelay $0x1  }
0xa7: {  	s23 =	simm.s32 $0x1B8B  }
0xa8: {  	_ =	swait.ge [sflag:s23], $0x1  }
0xa9: {  	[sflag:s23] =	ssyncset.done $0x0  }
0xaa: {  	s25 =	simm.s32 $0x1B8E;
	s24 =	sld [smem:$0x3FFE];
	[sflag:s23] =	ssyncadd.s32 $0xFFFFFFFF  }
0xab: {  	s26 =	simm.s32 $execute0_lowered;
	[smem:$0x3FD2] =	sst s25  }
0xac: {  	s6 =	sshll.u32 s26, $0x1;
	_ =	strace $0x80000046;
	[dreg:$0x1] =	wrdreg $0xFFFFFFFF  }
0xad: {  	s28 =	simm.s32 $_size_execute0_lowered;
	s4 =	sadd.s32 s4, s6;
	[dreg:$0x0] =	wrdreg $0x0  }
0xae: {  	s6 =	sshll.u32 s28, $0x1;
	[dreg:$0x2] =	wrdreg s4  }
0xaf: {  	[dreg:$0x3] =	wrdreg s6  }
0xb0: {  	[dreg:$0x4] =	wrdreg $0xC0  }
0xb1: {  	_ =	task [dreg:s8], $0x5FFFF  }
0xb2: {  	[dreg:$0x1] =	wrdreg $0xFFFFFFFF  }
0xb3: {  	[dreg:$0x0] =	wrdreg $0x60  }
0xb4: {  	[dreg:$0x2] =	wrdreg s24  }
0xb5: {  	[dreg:$0x3] =	wrdreg s16  }
0xb6: {  	[dreg:$0x4] =	wrdreg s17  }
0xb7: {  	[dreg:$0x5] =	wrdreg $0x9  }
0xb8: {  	_ =	task.clear_ibuf [dreg:s8], $0x6FFFF;
	_ =	strace $0x90000046  }
0xb9: {  	s29 =	simm.s32 $0x9;
	_ =	strace $0x80000048  }
0xba: {  	_ =	swait.ge [sflag:s29], $0x1  }
0xbb: {  	[sflag:s29] =	ssyncadd.s32 $0xFFFFFFFF  }
0xbc: {  	_ =	strace $0x90000048  }
0xbd: {  	_ =	sfence  }
0xbe: {  	s30 =	sld [smem:$0x0];
	_ =	sdelay $0x2  }
0xbf: {  	s31 =	sshll.u32 s1, $0xD;
	s1 =	sshrl.u32 s1, $0x2  }
0xc0: {  	s3 =	sand.u32 $0x4000, s31;
	s1 =	sadd.s32 s1, s30  }
0xc1: {  	s0 =	sor.u32 s3, s0;
	s1 =	sshll.u32 s1, $0x11  }
0xc2: {  	s0 =	sor.u32 s1, s0  }
0xc3: {  	s0 =	sadd.s32 $0x8F2B, s0  }
0xc4: {  	[sflag:s0] =	ssyncadd.remote.s32 $0x1  }
0xc5: {  	_ =	sfence.sel $0xFFFF  }
0xc6: {  	[dreg:$0x0] =	wrdreg $0xFFFFFFFF;
	(pc) =	sbr.abs _section_cstart, $3  }
0xc7: {  	[dreg:$0x1] =	wrdreg $0xFFFFFFFF  }
0xc8: {  	_ =	task.clear_ibuf [dreg:s8], $0x2FFFF;
	_ =	strace $0x9FFFFFFF  }
0xc9: {  	(tm) =	ssettm $0x7FFFFFFF  }
tec
execute0_lowered:
.L_overlay_start_1:
0x0: {  	(tag) =	ssettag $0x1  }
0x1: {  	s4 =	rddreg [dreg:$0x0]  }
0x2: {  	s5 =	rddreg [dreg:$0x1];
	s1 =	srdreg.scid  }
0x3: {  	s0 =	stileid.u32;
	s6 =	rddreg [dreg:$0x2]  }
0x4: {  	s2 =	simm.s32 $0x0;
	s10 =	simm.s32 $0x7600;
	s11 =	simm.s32 $0xEC00  }
0x5: {  	s12 =	simm.s32 $0x4;
	s13 =	simm.s32 $0x1;
	s14 =	simm.s32 $0x2  }
0x6: {  	s15 =	simm.s32 $0x3;
	s3 =	sand.u32 $0x1, s1;
	s7 =	sshll.u32 s0, $0x1  }
0x7: {  	s16 =	simm.s32 $0xB100;
	s17 =	simm.s32 $0x0;
	s7 =	sor.u32 s3, s7  }
0x8: {  	[smem:$0x7FF] =	sst s2;
	s8 =	ssub.s32 $0x2, s3;
	s7 =	smul.u32 $0x753, s7  }
0x9: {  	s1 =	rddreg [dreg:$0x3];
	_ =	strace $0x80000047;
	s31 =	sshrl.u32 s8, $0x1  }
0xa: {  	s3 =	sadd.s32 $0x10C00, s4;
	s8 =	ssub.s32 s8, s31;
	s9 =	sadd.s32 s7, s4  }
0xb: {  	s5 =	sadd.s32 s5, s7;
	s6 =	sadd.s32 s6, s7;
	s8 =	smax.u32 s8, $0x1  }
0xc: {  	s4 =	sadd.s32 $0x2000, s9;
	s7 =	sadd.s32 $0x10E00, s9;
	s9 =	simm.s32 $0x3B00  }
.LBB2_1:
0xd: {  	[tilespmem:s2], [sflag:$0x1] =	stream.linear.gather [hbm4b:s4+s2], $0x3A98, $0x38;
	[tilespmem:$0xEC80] =	vst v63  }
0xe: {  	_ = 	snop  }
0xf: {  	[tilespmem:s9], [sflag:$0x2] =	stream.linear.gather [hbm4b:s5+s2], $0x3A98, $0x38;
	[tilespmem:$0xEC80] =	vst v63  }
0x10: {  	_ = 	snop  }
0x11: {  	[tilespmem:s10], [sflag:$0x3] =	stream.linear.gather [hbm4b:s6+s2], $0x3A98, $0x38;
	[tilespmem:$0xEC80] =	vst v63  }
0x12: {  	_ = 	snop  }
0x13: {  	[tilespmem:s11], [sflag:$0x4] =	stream.linear.gather [hbm4b:s3+s2], $0x80, $0x38;
	[tilespmem:$0xEC80] =	vst v63  }
0x14: {  	_ =	swait.ge [sflag:s12], $0x80  }
0x15: {  	[sflag:s12] =	ssyncset.done $0x0  }
0x16: {  	[sflag:s12] =	ssyncadd.s32 $0xFFFFFF80  }
0x17: {  	_ =	swait.ge [sflag:s13], $0x3A98  }
0x18: {  	[sflag:s13] =	ssyncset.done $0x0  }
0x19: {  	[sflag:s13] =	ssyncadd.s32 $0xFFFFC568  }
0x1a: {  	_ =	swait.ge [sflag:s14], $0x3A98  }
0x1b: {  	[sflag:s14] =	ssyncset.done $0x0  }
0x1c: {  	[sflag:s14] =	ssyncadd.s32 $0xFFFFC568  }
0x1d: {  	_ =	swait.ge [sflag:s15], $0x3A98  }
0x1e: {  	[sflag:s15] =	ssyncset.done $0x0  }
0x1f: {  	s19 =	simm.s32 $0x0;
	[sflag:s15] =	ssyncadd.s32 $0xFFFFC568  }
0x20: {  	v0 =	vld [tilespmem:s19+$0x7600];
	_ =	sdelay $0x4  }
0x21: {  	v1 =	vld [tilespmem:s19+$0x0];
	v0 =	vmul.u32 $0xB62, v0;
	_ =	sdelay $0x1  }
0x22: {  	s18 =	simm.s32 $0x10;
	v0 =	vadd.s32 $0x5B0, v0  }
0x23: {  	v2 =	vld [tilespmem:s18+$0x7600];
	v0 =	vshrl.u32 v0, $0xE  }
0x24: {  	v3 =	vand.u32 $0x1C, v0  }
0x25: {  	v3 =	vadd.s32 v1, v3  }
0x26: {  	v4 =	vand.u32 $0x1F, v3;
	_ =	sdelay $0x1  }
0x27: {  	v5 =	vmul.u32 $0xB62, v2;
	v0 =	vld [tilespmem:s18+$0x0]  }
0x28: {  	s20 =	simm.s32 $0x20;
	v2 =	vld [tilespmem:s19+$0x3B00]  }
0x29: {  	s21 =	simm.s32 $0xC0;
	v5 =	vadd.s32 $0x5B0, v5;
	v3 =	vld [tilespmem:s20+$0x7600]  }
.LBB2_2:
0x2a: {  	p0 =	sne.s32 s21, $0xEA40;
	v7 =	vshrl.u32 v5, $0xE;
	v6 =	vld.idx.msk [tilespmem:v4+s11+$0x0], $0xffff;
	s22 =	smov.u32 s20  }
0x2b: {  	v4 =	vand.u32 $0x1C, v7  }
0x2c: {  	v4 =	vadd.s32 v0, v4;
	v5 =	vmov v0  }
.Ltmp0:
0x2d: {  	v4 =	vand.u32 $0x1F, v4;
	(pc) =	sbr.rel @p0 .LBB2_2-.Ltmp0, $4  }
0x2e: {  	_ = 	snop  }
0x2f: {  	vm0 =	vgt.s32 v2, $0x77;
	v7 =	vmul.u32 $0xB62, v3;
	v0 =	vld [tilespmem:s22+$0x0]  }
0x30: {  	s20 =	sshra.s32 s21, $0x2;
	v6 =	vsel vm0, v6, v1;
	v1 =	vmov v5;
	v2 =	vld [tilespmem:s18+$0x3B00]  }
0x31: {  	s21 =	sadd.s32 $0x40, s21;
	v5 =	vadd.s32 $0x5B0, v7;
	v3 =	vld [tilespmem:s20+$0x7600];
	[tilespmem:s19+$0xB100] =	vst v6;
	s19 =	smov.u32 s18;
	s18 =	smov.u32 s22  }
0x32: {  	_ =	sdelay $0x2  }
0x33: {  	v5 =	vshrl.u32 v5, $0xE  }
0x34: {  	v4 =	vld.idx.msk [tilespmem:v4+s11+$0x0], $0xffff;
	v5 =	vand.u32 $0x1C, v5  }
0x35: {  	v5 =	vadd.s32 v0, v5  }
0x36: {  	v5 =	vand.u32 $0x1F, v5  }
0x37: {  	v6 =	vld [tilespmem:s20+$0x0];
	v3 =	vmul.u32 $0xB62, v3  }
0x38: {  	vm0 =	vgt.s32 v2, $0x77  }
0x39: {  	v1 =	vsel vm0, v4, v1;
	v3 =	vadd.s32 $0x5B0, v3  }
0x3a: {  	v59 =	vld [tilespmem:s18+$0x3B00];
	[tilespmem:s19+$0xB100] =	vst v1;
	v60 =	vshrl.u32 v3, $0xE  }
0x3b: {  	v61 =	vld.idx.msk [tilespmem:v5+s11+$0x0], $0xffff;
	v1 =	vand.u32 $0x1C, v60  }
0x3c: {  	v1 =	vadd.s32 v6, v1  }
0x3d: {  	v1 =	vand.u32 $0x1F, v1;
	_ =	sdelay $0x1  }
0x3e: {  	vm14 =	vgt.s32 v59, $0x77  }
0x3f: {  	v63 =	vsel vm14, v61, v0  }
0x40: {  	v62 =	vld [tilespmem:s20+$0x3B00];
	[tilespmem:s18+$0xB100] =	vst v63  }
0x41: {  	v0 =	vld.idx.msk [tilespmem:v1+s11+$0x0], $0xffff;
	_ =	sdelay $0x3  }
0x42: {  	s17 =	sadd.s32 $0x1, s17;
	vm15 =	vgt.s32 v62, $0x77  }
0x43: {  	p0 =	sne.s32 s17, s8;
	v0 =	vsel vm15, v0, v6  }
.Ltmp1:
0x44: {  	[tilespmem:s20+$0xB100] =	vst v0;
	(pc) =	sbr.rel @p0 .LBB2_1-.Ltmp1, $4  }
0x45: {  	[hbm4b:s7+s2] =	stream.linear.scatter [tilespmem:s16], [sflag:$0x4], $0x3A98, $0x38;
	[tilespmem:$0xEC80] =	vst v63  }
0x46: {  	_ =	swait.ge [sflag:s12], $0x3A98  }
0x47: {  	[sflag:s12] =	ssyncset.done $0x0  }
0x48: {  	[sflag:s12] =	ssyncadd.s32 $0xFFFFC568  }
0x49: {  	_ =	sfence.sel $0x180000  }
0x4a: {  	[bflag:$0x0] =	sbarrier.arrive $0xFFFF  }
0x4b: {  	p0 =	sne.s32 s0, $0x0;
	_ =	strace $0x90000047  }
0x4c: {  	s0 =	sadd.s32 @!p0 $0x100000, s1;
	[bflag:$0x2] =	sbarrier.arrive $0xFFFF  }
0x4d: {  	[sflag:s0] =	ssyncadd.tile.s32 @!p0 $0x1;
	_ =	shalt  }
.Lfunc_end2:
_tile_overlayer_lowered:
.L_overlay_start_2:
0x4e: {  	(tag) =	ssettag $0x2  }
0x4f: {  	s0 =	rddreg [dreg:$0x0];
	s2 =	stileid.u32  }
0x50: {  	s1 =	rddreg [dreg:$0x1];
	p0 =	sne.s32 s2, $0x0  }
0x51: {  	s3 =	rddreg [dreg:$0x2];
	[bflag:$0x3] =	sbarrier.arrive $0xFFFF;
	s2 =	simm.s32 @!p0 $0x1C04  }
0x52: {  	[timem:s3], [sflag:s2] =	dma.local @!p0 [hbm:s0], s1  }
0x53: {  	s0 =	simm.s32 @!p0 $0x4  }
0x54: {  	_ =	swait.ge @!p0 [sflag:s0], s1  }
0x55: {  	s1 =	ssub.s32 @!p0 $0x0, s1;
	[sflag:s0] =	ssyncset.done @!p0 $0x0  }
0x56: {  	[sflag:s0] =	ssyncadd.s32 @!p0 s1  }
0x57: {  	[bflag:$0x3] =	sbarrier.arrive $0xFFFF  }
0x58: {  	_ =	shalt  }

</sc_bundles>
